<compile_context>
chip_gen: v7x
topology: tpu7x:2x2x1
jax: 0.10.2.dev20260603
libtpu: 0.0.44.dev20260713+nightly
codegen_flags: <defaults>
</compile_context>

<pallas_src>
import jax
import jax.numpy as jnp
from jax.experimental import pallas as pl
from jax.experimental.pallas import tpu as pltpu


def _reduce_mlp_body(nnzf, vals_ref, rtw_ref, rtb_ref, w1t_ref, b1_ref,
                     w2_ref, b2_ref, att_ref, sc_ref, of_ref, acc_ref):
    j = pl.program_id(0)
    nb = pl.num_programs(0)

    @pl.when(j == 0)
    def _():
        acc_ref[...] = jnp.zeros_like(acc_ref)

    acc_ref[...] += vals_ref[...]

    @pl.when(j == nb - 1)
    def _():
        sums = jnp.sum(acc_ref[...], axis=1, keepdims=True)
        feats = rtw_ref[...] * sums + nnzf * rtb_ref[...]
        h = jnp.sum(feats * w1t_ref[...], axis=0, keepdims=True) + b1_ref[...]
        h = jnp.maximum(h, 0.0)
        logits = (jnp.sum(h * w2_ref[...], axis=1, keepdims=True)
                  + b2_ref[...])
        m = jnp.max(logits, axis=0, keepdims=True)
        e = jnp.exp(logits - m)
        att = e / jnp.sum(e, axis=0, keepdims=True)
        att_ref[...] = att
        sc_ref[...] = att * rtw_ref[...]
        of_ref[...] = att * rtb_ref[...]


def _scale_body(vals_ref, sc_ref, of_ref, vout_ref):
    vout_ref[...] = vals_ref[...] * sc_ref[...] + of_ref[...]


def kernel(A_indices, A_values, rt_w, rt_b, W1, b1, W2, b2):
    R, NNZ = A_values.shape
    BN = min(65536, NNZ)
    nb = NNZ // BN
    H = W1.shape[0]

    idx_out = jnp.transpose(A_indices, (1, 0, 2))

    def body(*refs):
        _reduce_mlp_body(float(NNZ), *refs)

    small = lambda j: (0, 0)
    att_c, scale_c, off_c = pl.pallas_call(
        body,
        grid=(nb,),
        in_specs=[
            pl.BlockSpec((R, BN), lambda j: (0, j)),
            pl.BlockSpec((R, 1), small),
            pl.BlockSpec((R, 1), small),
            pl.BlockSpec((R, H), small),
            pl.BlockSpec((1, H), small),
            pl.BlockSpec((R, H), small),
            pl.BlockSpec((R, 1), small),
        ],
        out_specs=[pl.BlockSpec((R, 1), small)] * 3,
        out_shape=[jax.ShapeDtypeStruct((R, 1), jnp.float32)] * 3,
        scratch_shapes=[pltpu.VMEM((R, BN), jnp.float32)],
    )(A_values, rt_w.reshape(R, 1), rt_b.reshape(R, 1), W1.T,
      b1.reshape(1, H), W2, b2.reshape(R, 1))

    vals_out = pl.pallas_call(
        _scale_body,
        grid=(nb,),
        in_specs=[
            pl.BlockSpec((R, BN), lambda j: (0, j)),
            pl.BlockSpec((R, 1), small),
            pl.BlockSpec((R, 1), small),
        ],
        out_specs=pl.BlockSpec((R, BN), lambda j: (0, j)),
        out_shape=jax.ShapeDtypeStruct((R, NNZ), jnp.float32),
    )(A_values, scale_c, off_c)

    return (idx_out.reshape(2, R * NNZ), vals_out.reshape(R * NNZ),
            att_c.reshape(R))

# --- scband reference (transcript-rebuilt; emitter-appended) ---
"""Pipeline reference for scband-dynamic-relation-aggregation-37349035606782 (READ-ONLY COPY).

The authoritative reference and input builder live on the scoring server;
editing this copy changes nothing except your own understanding.
"""

import jax, jax.numpy as jnp
import numpy as np

R, N, NNZ = 4, 16384, 2621440

def setup_inputs(seed: int = 0):
    key = jax.random.key(seed)
    ks = jax.random.split(key, 8)
    A_indices = jax.random.randint(ks[0], (R, 2, NNZ), 0, N, dtype=jnp.int32)
    A_values = jax.random.uniform(ks[1], (R, NNZ), dtype=jnp.float32)
    # per-relation Linear(1,1): scalar weight + bias (fan_in=1 -> U(-1,1))
    rt_w = jax.random.uniform(ks[2], (R,), minval=-1.0, maxval=1.0, dtype=jnp.float32)
    rt_b = jax.random.uniform(ks[3], (R,), minval=-1.0, maxval=1.0, dtype=jnp.float32)
    # attention_net: Linear(R,64) -> ReLU -> Linear(64,R) -> Softmax
    b1_bound = 1.0 / np.sqrt(R)
    W1 = jax.random.uniform(ks[4], (64, R), minval=-b1_bound, maxval=b1_bound, dtype=jnp.float32)
    b1 = jax.random.uniform(ks[5], (64,), minval=-b1_bound, maxval=b1_bound, dtype=jnp.float32)
    b2_bound = 1.0 / np.sqrt(64)
    W2 = jax.random.uniform(ks[6], (R, 64), minval=-b2_bound, maxval=b2_bound, dtype=jnp.float32)
    b2 = jax.random.uniform(ks[7], (R,), minval=-b2_bound, maxval=b2_bound, dtype=jnp.float32)
    return {"A_indices": A_indices, "A_values": A_values, "rt_w": rt_w, "rt_b": rt_b,
            "W1": W1, "b1": b1, "W2": W2, "b2": b2}

def reference(A_indices, A_values, rt_w, rt_b, W1, b1, W2, b2):
    # per-relation Linear(1,1) applied to COO values
    transformed = A_values * rt_w[:, None] + rt_b[:, None]            # [R, NNZ]
    # relation features: sum of each transformed sparse matrix
    feats = jnp.sum(transformed, axis=1)                              # [R]
    # attention_net over [1, R]
    h = jax.nn.relu(feats @ W1.T + b1)                                # [64]
    logits = h @ W2.T + b2                                            # [R]
    att = jax.nn.softmax(logits)                                      # [R]
    # weighted sum of sparse matrices == concatenated (uncoalesced) COO
    final_values = (att[:, None] * transformed).reshape(-1)          # [R*NNZ]
    final_indices = jnp.transpose(A_indices, (1, 0, 2)).reshape(2, -1)  # [2, R*NNZ]
    return final_indices, final_values, att

if __name__ == "__main__":
    import jax
    _d = setup_inputs()
    print(jax.jit(kernel)(*tuple(_d.values())))

</pallas_src>

<mosaic_0001>
module attributes {stable_mosaic.version = 14 : i64} {
  func.func @body(%arg0: i32, %arg1: memref<4x65536xf32, #tpu.memory_space<vmem>>, %arg2: memref<4x1xf32, #tpu.memory_space<vmem>>, %arg3: memref<4x1xf32, #tpu.memory_space<vmem>>, %arg4: memref<4x64xf32, #tpu.memory_space<vmem>>, %arg5: memref<1x64xf32, #tpu.memory_space<vmem>>, %arg6: memref<4x64xf32, #tpu.memory_space<vmem>>, %arg7: memref<4x1xf32, #tpu.memory_space<vmem>>, %arg8: memref<4x1xf32, #tpu.memory_space<vmem>>, %arg9: memref<4x1xf32, #tpu.memory_space<vmem>>, %arg10: memref<4x1xf32, #tpu.memory_space<vmem>>, %arg11: memref<4x65536xf32, #tpu.memory_space<vmem>>) attributes {dimension_semantics = [#tpu.dimension_semantics<arbitrary>], iteration_bounds = array<i64: 40>, scalar_prefetch = 0 : i64, scratch_operands = 1 : i64, tpu.core_type = #tpu.core_type<tc>, window_params = [{transform_indices = @transform_0, window_bounds = array<i64: 4, 65536>}, {pipeline_mode = #tpu.pipeline_mode<synchronous>, transform_indices = @transform_1, window_bounds = array<i64: 4, 1>}, {pipeline_mode = #tpu.pipeline_mode<synchronous>, transform_indices = @transform_2, window_bounds = array<i64: 4, 1>}, {pipeline_mode = #tpu.pipeline_mode<synchronous>, transform_indices = @transform_3, window_bounds = array<i64: 4, 64>}, {pipeline_mode = #tpu.pipeline_mode<synchronous>, transform_indices = @transform_4, window_bounds = array<i64: 1, 64>}, {pipeline_mode = #tpu.pipeline_mode<synchronous>, transform_indices = @transform_5, window_bounds = array<i64: 4, 64>}, {pipeline_mode = #tpu.pipeline_mode<synchronous>, transform_indices = @transform_6, window_bounds = array<i64: 4, 1>}, {pipeline_mode = #tpu.pipeline_mode<synchronous>, transform_indices = @transform_7, window_bounds = array<i64: 4, 1>}, {pipeline_mode = #tpu.pipeline_mode<synchronous>, transform_indices = @transform_8, window_bounds = array<i64: 4, 1>}, {pipeline_mode = #tpu.pipeline_mode<synchronous>, transform_indices = @transform_9, window_bounds = array<i64: 4, 1>}]} {
    %eq3A = arith.constant 0 : i32
    %eq3A_0 = arith.cmpi eq, %arg0, %eq3A : i32
    %convert_element_type3A = arith.extui %eq3A_0 : i1 to i32
    %cond3A = arith.constant 0 : i32
    %cond3A_1 = arith.cmpi ne, %convert_element_type3A, %cond3A : i32
    scf.if %cond3A_1 {
      %broadcast_in_dim3A = arith.constant 0.000000e+00 : f32
      %broadcast_in_dim3A_14 = vector.broadcast %broadcast_in_dim3A : f32 to vector<4x65536xf32>
      %swap3A_15 = arith.constant 0 : index
      %swap3A_16 = arith.constant 0 : index
      %swap3A_17 = vector.load %arg11[%swap3A_15, %swap3A_16] : memref<4x65536xf32, #tpu.memory_space<vmem>>, vector<4x65536xf32>
      tpu.vector_store %arg11[%swap3A_15, %swap3A_16], %broadcast_in_dim3A_14 {strides = array<i32>} : memref<4x65536xf32, #tpu.memory_space<vmem>>, vector<4x65536xf32>,
    } else {
    }
    %get3A = arith.constant 0 : index
    %get3A_2 = arith.constant 0 : index
    %get3A_3 = vector.load %arg11[%get3A, %get3A_2] : memref<4x65536xf32, #tpu.memory_space<vmem>>, vector<4x65536xf32>
    %get3A_4 = arith.constant 0 : index
    %get3A_5 = arith.constant 0 : index
    %get3A_6 = vector.load %arg1[%get3A_4, %get3A_5] : memref<4x65536xf32, #tpu.memory_space<vmem>>, vector<4x65536xf32>
    %add3A = arith.addf %get3A_3, %get3A_6 : vector<4x65536xf32>
    %swap3A = arith.constant 0 : index
    %swap3A_7 = arith.constant 0 : index
    %swap3A_8 = vector.load %arg11[%swap3A, %swap3A_7] : memref<4x65536xf32, #tpu.memory_space<vmem>>, vector<4x65536xf32>
    tpu.vector_store %arg11[%swap3A, %swap3A_7], %add3A {strides = array<i32>} : memref<4x65536xf32, #tpu.memory_space<vmem>>, vector<4x65536xf32>,
    %eq3A_9 = arith.constant 39 : i32
    %eq3A_10 = arith.cmpi eq, %arg0, %eq3A_9 : i32
    %convert_element_type3A_11 = arith.extui %eq3A_10 : i1 to i32
    %cond3A_12 = arith.constant 0 : i32
    %cond3A_13 = arith.cmpi ne, %convert_element_type3A_11, %cond3A_12 : i32
    scf.if %cond3A_13 {
      %get3A_14 = arith.constant 0 : index
      %get3A_15 = arith.constant 0 : index
      %get3A_16 = vector.load %arg11[%get3A_14, %get3A_15] : memref<4x65536xf32, #tpu.memory_space<vmem>>, vector<4x65536xf32>
      %reduce_sum3A = arith.constant dense<0.000000e+00> : vector<4xf32>
      %reduce_sum3A_17 = vector.multi_reduction <add>, %get3A_16, %reduce_sum3A [1] : vector<4x65536xf32> to vector<4xf32>
      %broadcast_in_dim3A = vector.shape_cast %reduce_sum3A_17 : vector<4xf32> to vector<4x1xf32>
      %get3A_18 = arith.constant 0 : index
      %get3A_19 = arith.constant 0 : index
      %get3A_20 = vector.load %arg2[%get3A_18, %get3A_19] : memref<4x1xf32, #tpu.memory_space<vmem>>, vector<4x1xf32>
      %mul3A = arith.mulf %get3A_20, %broadcast_in_dim3A : vector<4x1xf32>
      %get3A_21 = arith.constant 0 : index
      %get3A_22 = arith.constant 0 : index
      %get3A_23 = vector.load %arg3[%get3A_21, %get3A_22] : memref<4x1xf32, #tpu.memory_space<vmem>>, vector<4x1xf32>
      %mul3A_24 = arith.constant 2.621440e+06 : f32
      %mul3A_25 = vector.broadcast %mul3A_24 : f32 to vector<4x1xf32>
      %mul3A_26 = arith.mulf %mul3A_25, %get3A_23 : vector<4x1xf32>
      %add3A_27 = arith.addf %mul3A, %mul3A_26 : vector<4x1xf32>
      %get3A_28 = arith.constant 0 : index
      %get3A_29 = arith.constant 0 : index
      %get3A_30 = vector.load %arg4[%get3A_28, %get3A_29] : memref<4x64xf32, #tpu.memory_space<vmem>>, vector<4x64xf32>
      %mul3A_31 = vector.broadcast %add3A_27 : vector<4x1xf32> to vector<4x64xf32>
      %mul3A_32 = arith.mulf %mul3A_31, %get3A_30 : vector<4x64xf32>
      %reduce_sum3A_33 = arith.constant dense<0.000000e+00> : vector<64xf32>
      %reduce_sum3A_34 = vector.multi_reduction <add>, %mul3A_32, %reduce_sum3A_33 [0] : vector<4x64xf32> to vector<64xf32>
      %broadcast_in_dim3A_35 = vector.shape_cast %reduce_sum3A_34 : vector<64xf32> to vector<1x64xf32>
      %get3A_36 = arith.constant 0 : index
      %get3A_37 = arith.constant 0 : index
      %get3A_38 = vector.load %arg5[%get3A_36, %get3A_37] : memref<1x64xf32, #tpu.memory_space<vmem>>, vector<1x64xf32>
      %add3A_39 = arith.addf %broadcast_in_dim3A_35, %get3A_38 : vector<1x64xf32>
      %max3A = arith.constant 0.000000e+00 : f32
      %max3A_40 = vector.broadcast %max3A : f32 to vector<1x64xf32>
      %max3A_41 = arith.maximumf %add3A_39, %max3A_40 : vector<1x64xf32>
      %get3A_42 = arith.constant 0 : index
      %get3A_43 = arith.constant 0 : index
      %get3A_44 = vector.load %arg6[%get3A_42, %get3A_43] : memref<4x64xf32, #tpu.memory_space<vmem>>, vector<4x64xf32>
      %mul3A_45 = vector.broadcast %max3A_41 : vector<1x64xf32> to vector<4x64xf32>
      %mul3A_46 = arith.mulf %mul3A_45, %get3A_44 : vector<4x64xf32>
      %reduce_sum3A_47 = arith.constant dense<0.000000e+00> : vector<4xf32>
      %reduce_sum3A_48 = vector.multi_reduction <add>, %mul3A_46, %reduce_sum3A_47 [1] : vector<4x64xf32> to vector<4xf32>
      %broadcast_in_dim3A_49 = vector.shape_cast %reduce_sum3A_48 : vector<4xf32> to vector<4x1xf32>
      %get3A_50 = arith.constant 0 : index
      %get3A_51 = arith.constant 0 : index
      %get3A_52 = vector.load %arg7[%get3A_50, %get3A_51] : memref<4x1xf32, #tpu.memory_space<vmem>>, vector<4x1xf32>
      %add3A_53 = arith.addf %broadcast_in_dim3A_49, %get3A_52 : vector<4x1xf32>
      %reduce_max3A = arith.constant dense<0xFF800000> : vector<1xf32>
      %reduce_max3A_54 = vector.multi_reduction <maximumf>, %add3A_53, %reduce_max3A [0] : vector<4x1xf32> to vector<1xf32>
      %broadcast_in_dim3A_55 = vector.shape_cast %reduce_max3A_54 : vector<1xf32> to vector<1x1xf32>
      %sub3A = vector.broadcast %broadcast_in_dim3A_55 : vector<1x1xf32> to vector<4x1xf32>
      %sub3A_56 = arith.subf %add3A_53, %sub3A : vector<4x1xf32>
      %exp3A = math.exp %sub3A_56 : vector<4x1xf32>
      %reduce_sum3A_57 = arith.constant dense<0.000000e+00> : vector<1xf32>
      %reduce_sum3A_58 = vector.multi_reduction <add>, %exp3A, %reduce_sum3A_57 [0] : vector<4x1xf32> to vector<1xf32>
      %broadcast_in_dim3A_59 = vector.shape_cast %reduce_sum3A_58 : vector<1xf32> to vector<1x1xf32>
      %div3A = vector.broadcast %broadcast_in_dim3A_59 : vector<1x1xf32> to vector<4x1xf32>
      %div3A_60 = arith.divf %exp3A, %div3A : vector<4x1xf32>
      %swap3A_61 = arith.constant 0 : index
      %swap3A_62 = arith.constant 0 : index
      %swap3A_63 = vector.load %arg8[%swap3A_61, %swap3A_62] : memref<4x1xf32, #tpu.memory_space<vmem>>, vector<4x1xf32>
      tpu.vector_store %arg8[%swap3A_61, %swap3A_62], %div3A_60 {strides = array<i32>} : memref<4x1xf32, #tpu.memory_space<vmem>>, vector<4x1xf32>,
      %get3A_64 = arith.constant 0 : index
      %get3A_65 = arith.constant 0 : index
      %get3A_66 = vector.load %arg2[%get3A_64, %get3A_65] : memref<4x1xf32, #tpu.memory_space<vmem>>, vector<4x1xf32>
      %mul3A_67 = arith.mulf %div3A_60, %get3A_66 : vector<4x1xf32>
      %swap3A_68 = arith.constant 0 : index
      %swap3A_69 = arith.constant 0 : index
      %swap3A_70 = vector.load %arg9[%swap3A_68, %swap3A_69] : memref<4x1xf32, #tpu.memory_space<vmem>>, vector<4x1xf32>
      tpu.vector_store %arg9[%swap3A_68, %swap3A_69], %mul3A_67 {strides = array<i32>} : memref<4x1xf32, #tpu.memory_space<vmem>>, vector<4x1xf32>,
      %get3A_71 = arith.constant 0 : index
      %get3A_72 = arith.constant 0 : index
      %get3A_73 = vector.load %arg3[%get3A_71, %get3A_72] : memref<4x1xf32, #tpu.memory_space<vmem>>, vector<4x1xf32>
      %mul3A_74 = arith.mulf %div3A_60, %get3A_73 : vector<4x1xf32>
      %swap3A_75 = arith.constant 0 : index
      %swap3A_76 = arith.constant 0 : index
      %swap3A_77 = vector.load %arg10[%swap3A_75, %swap3A_76] : memref<4x1xf32, #tpu.memory_space<vmem>>, vector<4x1xf32>
      tpu.vector_store %arg10[%swap3A_75, %swap3A_76], %mul3A_74 {strides = array<i32>} : memref<4x1xf32, #tpu.memory_space<vmem>>, vector<4x1xf32>,
    } else {
    }
    return
  }
  func.func @transform_0(%arg0: i32) -> (i32, i32) {
    %c0_i32 = arith.constant 0 : i32
    %c0_i32_0 = arith.constant 0 : i32
    return %c0_i32, %arg0 : i32, i32
  }
  func.func @transform_1(%arg0: i32) -> (i32, i32) {
    %c0_i32 = arith.constant 0 : i32
    %c0_i32_0 = arith.constant 0 : i32
    %c0_i32_1 = arith.constant 0 : i32
    return %c0_i32, %c0_i32_0 : i32, i32
  }
  func.func @transform_2(%arg0: i32) -> (i32, i32) {
    %c0_i32 = arith.constant 0 : i32
    %c0_i32_0 = arith.constant 0 : i32
    %c0_i32_1 = arith.constant 0 : i32
    return %c0_i32, %c0_i32_0 : i32, i32
  }
  func.func @transform_3(%arg0: i32) -> (i32, i32) {
    %c0_i32 = arith.constant 0 : i32
    %c0_i32_0 = arith.constant 0 : i32
    %c0_i32_1 = arith.constant 0 : i32
    return %c0_i32, %c0_i32_0 : i32, i32
  }
  func.func @transform_4(%arg0: i32) -> (i32, i32) {
    %c0_i32 = arith.constant 0 : i32
    %c0_i32_0 = arith.constant 0 : i32
    %c0_i32_1 = arith.constant 0 : i32
    return %c0_i32, %c0_i32_0 : i32, i32
  }
  func.func @transform_5(%arg0: i32) -> (i32, i32) {
    %c0_i32 = arith.constant 0 : i32
    %c0_i32_0 = arith.constant 0 : i32
    %c0_i32_1 = arith.constant 0 : i32
    return %c0_i32, %c0_i32_0 : i32, i32
  }
  func.func @transform_6(%arg0: i32) -> (i32, i32) {
    %c0_i32 = arith.constant 0 : i32
    %c0_i32_0 = arith.constant 0 : i32
    %c0_i32_1 = arith.constant 0 : i32
    return %c0_i32, %c0_i32_0 : i32, i32
  }
  func.func @transform_7(%arg0: i32) -> (i32, i32) {
    %c0_i32 = arith.constant 0 : i32
    %c0_i32_0 = arith.constant 0 : i32
    %c0_i32_1 = arith.constant 0 : i32
    return %c0_i32, %c0_i32_0 : i32, i32
  }
  func.func @transform_8(%arg0: i32) -> (i32, i32) {
    %c0_i32 = arith.constant 0 : i32
    %c0_i32_0 = arith.constant 0 : i32
    %c0_i32_1 = arith.constant 0 : i32
    return %c0_i32, %c0_i32_0 : i32, i32
  }
  func.func @transform_9(%arg0: i32) -> (i32, i32) {
    %c0_i32 = arith.constant 0 : i32
    %c0_i32_0 = arith.constant 0 : i32
    %c0_i32_1 = arith.constant 0 : i32
    return %c0_i32, %c0_i32_0 : i32, i32
  }
}

module attributes {stable_mosaic.version = 14 : i64} {
  func.func @_scale_body(%arg0: i32, %arg1: memref<4x65536xf32, #tpu.memory_space<vmem>>, %arg2: memref<4x1xf32, #tpu.memory_space<vmem>>, %arg3: memref<4x1xf32, #tpu.memory_space<vmem>>, %arg4: memref<4x65536xf32, #tpu.memory_space<vmem>>) attributes {dimension_semantics = [#tpu.dimension_semantics<arbitrary>], iteration_bounds = array<i64: 40>, scalar_prefetch = 0 : i64, scratch_operands = 0 : i64, tpu.core_type = #tpu.core_type<tc>, window_params = [{transform_indices = @transform_0, window_bounds = array<i64: 4, 65536>}, {pipeline_mode = #tpu.pipeline_mode<synchronous>, transform_indices = @transform_1, window_bounds = array<i64: 4, 1>}, {pipeline_mode = #tpu.pipeline_mode<synchronous>, transform_indices = @transform_2, window_bounds = array<i64: 4, 1>}, {transform_indices = @transform_3, window_bounds = array<i64: 4, 65536>}]} {
    %get3A = arith.constant 0 : index
    %get3A_0 = arith.constant 0 : index
    %get3A_1 = vector.load %arg1[%get3A, %get3A_0] : memref<4x65536xf32, #tpu.memory_space<vmem>>, vector<4x65536xf32>
    %get3A_2 = arith.constant 0 : index
    %get3A_3 = arith.constant 0 : index
    %get3A_4 = vector.load %arg2[%get3A_2, %get3A_3] : memref<4x1xf32, #tpu.memory_space<vmem>>, vector<4x1xf32>
    %mul3A = vector.broadcast %get3A_4 : vector<4x1xf32> to vector<4x65536xf32>
    %mul3A_5 = arith.mulf %get3A_1, %mul3A : vector<4x65536xf32>
    %get3A_6 = arith.constant 0 : index
    %get3A_7 = arith.constant 0 : index
    %get3A_8 = vector.load %arg3[%get3A_6, %get3A_7] : memref<4x1xf32, #tpu.memory_space<vmem>>, vector<4x1xf32>
    %add3A = vector.broadcast %get3A_8 : vector<4x1xf32> to vector<4x65536xf32>
    %add3A_9 = arith.addf %mul3A_5, %add3A : vector<4x65536xf32>
    %swap3A = arith.constant 0 : index
    %swap3A_10 = arith.constant 0 : index
    %swap3A_11 = vector.load %arg4[%swap3A, %swap3A_10] : memref<4x65536xf32, #tpu.memory_space<vmem>>, vector<4x65536xf32>
    tpu.vector_store %arg4[%swap3A, %swap3A_10], %add3A_9 {strides = array<i32>} : memref<4x65536xf32, #tpu.memory_space<vmem>>, vector<4x65536xf32>,
    return
  }
  func.func @transform_0(%arg0: i32) -> (i32, i32) {
    %c0_i32 = arith.constant 0 : i32
    %c0_i32_0 = arith.constant 0 : i32
    return %c0_i32, %arg0 : i32, i32
  }
  func.func @transform_1(%arg0: i32) -> (i32, i32) {
    %c0_i32 = arith.constant 0 : i32
    %c0_i32_0 = arith.constant 0 : i32
    %c0_i32_1 = arith.constant 0 : i32
    return %c0_i32, %c0_i32_0 : i32, i32
  }
  func.func @transform_2(%arg0: i32) -> (i32, i32) {
    %c0_i32 = arith.constant 0 : i32
    %c0_i32_0 = arith.constant 0 : i32
    %c0_i32_1 = arith.constant 0 : i32
    return %c0_i32, %c0_i32_0 : i32, i32
  }
  func.func @transform_3(%arg0: i32) -> (i32, i32) {
    %c0_i32 = arith.constant 0 : i32
    %c0_i32_0 = arith.constant 0 : i32
    return %c0_i32, %arg0 : i32, i32
  }
}

</mosaic_0001>

<sc_bundles>
// kernel: sparse-core-data-format-call.cloned.1.call-start
scs
called_computation_lowered:
.L_overlay_start_0:
0x0: {  	s2 =	sld [smem:$0x3FD9]  }
0x1: {  	s3 =	sld [smem:$0x3FFE];
	_ =	sdelay $0x1  }
0x2: {  	s1 =	srdreg.scid  }
0x3: {  	s0 =	sand.u32 $0x1, s1  }
0x4: {  	s16 =	sshll.u32 s0, $0xA;
	s2 =	sadd.s32 s3, s2  }
0x5: {  	s2 =	sadd.s32 s2, s16  }
0x6: {  	[smem:$0x3FC0] =	sst s2  }
0x7: {  	_ = 	snop  }
0x8: {  	s2 =	sld [smem:$0x3FD0];
	_ =	sdelay $0x2  }
0x9: {  	s17 =	simm.s32 $0xA;
	s4 =	simm.s32 $0x10  }
0xa: {  	[smem:s4], [sflag:s17] =	dma.local [hbm:s2], $0x1  }
0xb: {  	_ =	swait.eq [sflag:s17], $0x1  }
0xc: {  	[sflag:s17] =	ssyncset.done $0x0  }
0xd: {  	s18 =	sld [smem:$0x10];
	[sflag:s17] =	ssyncadd.s32 $0xFFFFFFFF  }
0xe: {  	s19 =	sld [smem:$0x11];
	(tm) =	ssettm $0x1  }
0xf: {  	s20 =	sld [smem:$0x3FFB];
	_ =	sdelay $0x3  }
0x10: {  	_ =	strace s20  }
0x11: {  	s4 =	sld [smem:$0x3FFC];
	_ =	sdelay $0x3  }
0x12: {  	_ =	strace s4  }
0x13: {  	s4 =	sld [smem:$0x3FFD];
	_ =	sdelay $0x3  }
0x14: {  	_ =	strace s4  }
0x15: {  	_ =	strace $0x8FFFFFFF  }
0x16: {  	s21 =	sld [smem:$0x3FDB];
	_ =	sdelay $0x1  }
0x17: {  	s5 =	simm.s32 $_scs_section_size  }
0x18: {  	s6 =	simm.s32 $_size__tile_overlayer_lowered;
	s7 =	simm.s32 $_tile_overlayer_lowered  }
0x19: {  	s24 =	simm.s32 $0x1BFF;
	s23 =	sshll.u32 s7, $0x1;
	s4 =	sadd.s32 s5, s21  }
0x1a: {  	s8 =	simm.s32 $0x0;
	s22 =	sshll.u32 s6, $0x1;
	s6 =	sadd.s32 s23, s4  }
0x1b: {  	[timem:s8], [sflag:s24] =	dma.local [hbm:s6], s22  }
0x1c: {  	_ =	swait.ge [sflag:s24], s22  }
0x1d: {  	s5 =	ssub.s32 $0x0, s22;
	[sflag:s24] =	ssyncset.done $0x0  }
0x1e: {  	[sflag:s24] =	ssyncadd.s32 s5;
	_ =	sdelay $0x1  }
0x1f: {  	s25 =	simm.s32 $0x1B8B  }
0x20: {  	_ =	swait.ge [sflag:s25], $0x1  }
0x21: {  	[sflag:s25] =	ssyncset.done $0x0  }
0x22: {  	s26 =	simm.s32 $0x1B8E;
	[sflag:s25] =	ssyncadd.s32 $0xFFFFFFFF  }
0x23: {  	s27 =	simm.s32 $execute0_lowered;
	[smem:$0x3FD2] =	sst s26  }
0x24: {  	s5 =	sshll.u32 s27, $0x1;
	_ =	strace $0x80000046;
	[dreg:$0x1] =	wrdreg $0xFFFFFFFF  }
0x25: {  	s28 =	simm.s32 $_size_execute0_lowered;
	s4 =	sadd.s32 s4, s5;
	[dreg:$0x0] =	wrdreg $0x0  }
0x26: {  	s5 =	sshll.u32 s28, $0x1;
	[dreg:$0x2] =	wrdreg s4  }
0x27: {  	[dreg:$0x3] =	wrdreg s5  }
0x28: {  	[dreg:$0x4] =	wrdreg $0xC0  }
0x29: {  	_ =	task [dreg:s8], $0x5FFFF  }
0x2a: {  	[dreg:$0x1] =	wrdreg $0xFFFFFFFF  }
0x2b: {  	[dreg:$0x0] =	wrdreg $0x60  }
0x2c: {  	[dreg:$0x2] =	wrdreg s18  }
0x2d: {  	[dreg:$0x3] =	wrdreg s19  }
0x2e: {  	[dreg:$0x4] =	wrdreg $0x9  }
0x2f: {  	_ =	task.clear_ibuf [dreg:s8], $0x5FFFF;
	_ =	strace $0x90000046  }
0x30: {  	s29 =	simm.s32 $0x9;
	_ =	strace $0x80000048  }
0x31: {  	_ =	swait.ge [sflag:s29], $0x1  }
0x32: {  	[sflag:s29] =	ssyncadd.s32 $0xFFFFFFFF  }
0x33: {  	_ =	strace $0x90000048  }
0x34: {  	_ =	sfence  }
0x35: {  	s30 =	sld [smem:$0x0];
	_ =	sdelay $0x2  }
0x36: {  	s31 =	sshll.u32 s1, $0xD;
	s1 =	sshrl.u32 s1, $0x2  }
0x37: {  	s3 =	sand.u32 $0x4000, s31;
	s1 =	sadd.s32 s1, s30  }
0x38: {  	s0 =	sor.u32 s3, s0;
	s1 =	sshll.u32 s1, $0x11  }
0x39: {  	s0 =	sor.u32 s1, s0  }
0x3a: {  	s0 =	sadd.s32 $0x8F2B, s0  }
0x3b: {  	[sflag:s0] =	ssyncadd.remote.s32 $0x1  }
0x3c: {  	_ =	sfence.sel $0xFFFF  }
0x3d: {  	[dreg:$0x0] =	wrdreg $0xFFFFFFFF;
	(pc) =	sbr.abs _section_cstart, $3  }
0x3e: {  	[dreg:$0x1] =	wrdreg $0xFFFFFFFF  }
0x3f: {  	_ =	task.clear_ibuf [dreg:s8], $0x2FFFF;
	_ =	strace $0x9FFFFFFF  }
0x40: {  	(tm) =	ssettm $0x7FFFFFFF  }
0x41: {  	_ =	shalt  }
tec
execute0_lowered:
.L_overlay_start_1:
0x0: {  	(tag) =	ssettag $0x1  }
0x1: {  	s0 =	srdreg.scid  }
0x2: {  	s1 =	sshll.u32 s0, $0x4  }
0x3: {  	s2 =	rddreg [dreg:$0x0];
	s0 =	stileid.u32;
	s1 =	sand.u32 $0x10, s1  }
0x4: {  	s3 =	rddreg [dreg:$0x1];
	s5 =	simm.s32 $0x1;
	s1 =	sor.u32 s0, s1  }
0x5: {  	s8 =	simm.s32 $0x2;
	s13 =	simm.s32 $0x0;
	s4 =	sshll.u32 s1, $0x5  }
0x6: {  	s9 =	simm.s32 $0x280000;
	s10 =	simm.s32 $0x0;
	s6 =	ssub.s32 $0x5000, s4  }
.Ltmp0:
0x7: {  	s12 =	simm.s32 $0x0;
	s7 =	sand.u32 $0x3E0, s6;
	(pc) =	sbr.rel .LBB1_1-.Ltmp0, $4  }
0x8: {  	s1 =	rddreg [dreg:$0x2];
	p0 =	sne.s32 s7, $0x0;
	s7 =	simm.s32 $0x1  }
0x9: {  	_ =	strace $0x80000047;
	s6 =	sshrl.u32 s6, $0xA;
	s7 =	simm.s32 @!p0 $0x0  }
0xa: {  	[sflag:s5] =	ssyncpa.u1 $0x0;
	s11 =	smov.u32 s4;
	s6 =	sadd.s32 s7, s6  }
0xb: {  	[sflag:s8] =	ssyncpa.u1 $0x0;
	s8 =	simm.s32 $0x1000;
	s7 =	sadd.s32 $0x1, s6  }
.LBB1_7:
0xc: {  	s15 =	sadd.s32 $0x400, s11  }
0xd: {  	p1 =	sgt.s32 s15, $0x4FFF  }
0xe: {  	s15 =	smov.u32 @p1 s4;
	p1 =	sne.s32 s12, s7  }
.Ltmp1:
0xf: {  	p0 =	slt.u32 s12, $0x2;
	(pc) =	sbr.rel @!p1 .LBB1_8-.Ltmp1, $4  }
0x10: {  	s14 =	simm.s32 @!p0 $0x2  }
0x11: {  	s16 =	sadd.s32 $0x1, s12;
	_ =	swait.ge @!p0 [sflag:s14], $0x4000  }
0x12: {  	s13 =	smov.u32 s11;
	s10 =	sadd.s32 $0x4000, s10;
	[sflag:s14] =	ssyncset.done @!p0 $0x0  }
0x13: {  	s12 =	smov.u32 s16;
	s11 =	smov.u32 s15;
	[sflag:s14] =	ssyncadd.s32 @!p0 $0xFFFFC000  }
.LBB1_1:
0x14: {  	p0 =	sge.u32 s12, s6  }
0x15: {  	s14 =	sxor.u32 @!p0 $0xFFFFFFFF, s12  }
0x16: {  	s31 =	sadd.s32 $0xFFFFFFFF, s12;
	s15 =	sshll.u32 @!p0 s11, $0x6;
	s14 =	sshll.u32 @!p0 s14, $0xE  }
0x17: {  	s16 =	simm.s32 @!p0 $0x0;
	s15 =	sadd.s32 @!p0 s2, s15;
	s14 =	sand.u32 @!p0 $0x4000, s14  }
0x18: {  	[tilespmem:s14], [sflag:$0x1] =	stream.linear.gather @!p0 [hbm4b:s15+s16], $0x4000, $0x38;
	[tilespmem:$0x10000] =	vst v63  }
0x19: {  	p0 =	sge.u32 s31, s6  }
.Ltmp2:
0x1a: {  	_ = 	snop;
	(pc) =	sbr.rel @p0 .LBB1_7-.Ltmp2, $1  }
0x1b: {  	_ =	sdelay $0x3  }
0x1c: {  	s14 =	sand.u32 $0x4000, s10  }
0x1d: {  	_ =	swait.ge [sflag:s5], $0x4000;
	s17 =	sshll.u32 s12, $0xE;
	s15 =	sor.u32 $0x8040, s14  }
0x1e: {  	s16 =	sor.u32 $0x40, s14;
	[sflag:s5] =	ssyncset.done $0x0;
	s31 =	sand.u32 $0x4000, s17  }
0x1f: {  	s17 =	simm.s32 $0x0;
	[sflag:s5] =	ssyncadd.s32 $0xFFFFC000;
	s14 =	sor.u32 $0x8000, s31  }
.LBB1_3:
0x20: {  	v0 =	vmov s16;
	_ =	sdelay $0x3  }
0x21: {  	s19 =	simm.s32 $0x0  }
0x22: {  	v6 =	vld.idx.msk [tilespmem:v0+s19+$0x30 ss:$0x1], $0xffff  }
0x23: {  	v7 =	vld.idx.msk [tilespmem:v0+s19+$0xFFFFFFC0 ss:$0x1], $0xffff  }
0x24: {  	v5 =	vld.idx.msk [tilespmem:v0+s19+$0xFFFFFFD0 ss:$0x1], $0xffff  }
0x25: {  	v4 =	vld.idx.msk [tilespmem:v0+s19+$0xFFFFFFE0 ss:$0x1], $0xffff  }
0x26: {  	v3 =	vld.idx.msk [tilespmem:v0+s19+$0xFFFFFFF0 ss:$0x1], $0xffff  }
0x27: {  	v1 =	vld.idx.msk [tilespmem:v0+s19+$0x0 ss:$0x1], $0xffff  }
0x28: {  	v2 =	vld.idx.msk [tilespmem:v0+s19+$0x10 ss:$0x1], $0xffff;
	[tilespmem:s15+$0x30] =	vst v6  }
0x29: {  	s18 =	simm.s32 $0x80;
	s20 =	simm.s32 $0x400;
	[tilespmem:s15+$0xFFFFFFC0] =	vst v7;
	v6 =	vld.idx.msk [tilespmem:v0+s19+$0x20 ss:$0x1], $0xffff;
	s19 =	smov.u32 s15  }
.LBB1_4:
0x2a: {  	p0 =	sne.s32 s20, $0x600;
	v7 =	vld.idx.msk [tilespmem:v0+s18+$0x30 ss:$0x1], $0xffff;
	[tilespmem:s19+$0xFFFFFFD0] =	vst v5  }
0x2b: {  	v8 =	vld.idx.msk [tilespmem:v0+s18+$0xFFFFFFC0 ss:$0x1], $0xffff;
	[tilespmem:s19+$0xFFFFFFE0] =	vst v4  }
0x2c: {  	v5 =	vld.idx.msk [tilespmem:v0+s18+$0xFFFFFFD0 ss:$0x1], $0xffff;
	[tilespmem:s19+$0xFFFFFFF0] =	vst v3  }
.Ltmp3:
0x2d: {  	v4 =	vld.idx.msk [tilespmem:v0+s18+$0xFFFFFFE0 ss:$0x1], $0xffff;
	[tilespmem:s19+$0x0] =	vst v1;
	(pc) =	sbr.rel @p0 .LBB1_4-.Ltmp3, $4  }
0x2e: {  	v3 =	vld.idx.msk [tilespmem:v0+s18+$0xFFFFFFF0 ss:$0x1], $0xffff;
	[tilespmem:s19+$0x10] =	vst v2  }
0x2f: {  	v1 =	vld.idx.msk [tilespmem:v0+s18+$0x0 ss:$0x1], $0xffff;
	[tilespmem:s19+$0x20] =	vst v6;
	s19 =	sadd.s32 $0x1000, s19  }
0x30: {  	v2 =	vld.idx.msk [tilespmem:v0+s18+$0x10 ss:$0x1], $0xffff;
	[tilespmem:s19+$0x30] =	vst v7  }
0x31: {  	[tilespmem:s19+$0xFFFFFFC0] =	vst v8;
	v6 =	vld.idx.msk [tilespmem:v0+s18+$0x20 ss:$0x1], $0xffff;
	s18 =	sshra.s32 s20, $0x2;
	s20 =	sadd.s32 $0x200, s20  }
0x32: {  	_ =	sdelay $0x2  }
0x33: {  	[tilespmem:s19+$0xFFFFFFD0] =	vst v5  }
0x34: {  	v56 =	vld.idx.msk [tilespmem:v0+s18+$0x30 ss:$0x1], $0xffff;
	[tilespmem:s19+$0xFFFFFFE0] =	vst v4  }
0x35: {  	v57 =	vld.idx.msk [tilespmem:v0+s18+$0xFFFFFFC0 ss:$0x1], $0xffff;
	[tilespmem:s19+$0xFFFFFFF0] =	vst v3  }
0x36: {  	v58 =	vld.idx.msk [tilespmem:v0+s18+$0xFFFFFFD0 ss:$0x1], $0xffff;
	[tilespmem:s19+$0x0] =	vst v1  }
0x37: {  	v59 =	vld.idx.msk [tilespmem:v0+s18+$0xFFFFFFE0 ss:$0x1], $0xffff;
	[tilespmem:s19+$0x10] =	vst v2  }
0x38: {  	v60 =	vld.idx.msk [tilespmem:v0+s18+$0xFFFFFFF0 ss:$0x1], $0xffff;
	s31 =	sadd.s32 $0x1000, s19;
	[tilespmem:s19+$0x20] =	vst v6  }
0x39: {  	v61 =	vld.idx.msk [tilespmem:v0+s18+$0x0 ss:$0x1], $0xffff;
	[tilespmem:s31+$0x30] =	vst v56  }
0x3a: {  	v62 =	vld.idx.msk [tilespmem:v0+s18+$0x10 ss:$0x1], $0xffff;
	s17 =	sadd.s32 $0x1, s17;
	[tilespmem:s31+$0xFFFFFFC0] =	vst v57  }
0x3b: {  	v63 =	vld.idx.msk [tilespmem:v0+s18+$0x20 ss:$0x1], $0xffff;
	p0 =	sne.s32 s17, $0x20;
	[tilespmem:s31+$0xFFFFFFD0] =	vst v58  }
.Ltmp4:
0x3c: {  	[tilespmem:s31+$0xFFFFFFE0] =	vst v59;
	(pc) =	sbr.rel @p0 .LBB1_3-.Ltmp4, $4  }
0x3d: {  	[tilespmem:s31+$0xFFFFFFF0] =	vst v60  }
0x3e: {  	[tilespmem:s31+$0x0] =	vst v61  }
0x3f: {  	[tilespmem:s31+$0x10] =	vst v62  }
0x40: {  	s15 =	sadd.s32 $0x80, s15;
	s16 =	sadd.s32 $0x200, s16;
	[tilespmem:s31+$0x20] =	vst v63  }
0x41: {  	s13 =	sand.u32 $0x1FFFFFF, s13  }
0x42: {  	s15 =	smulhi.u32 $0xCCCCCD, s13;
	_ =	sdelay $0x1  }
0x43: {  	s15 =	sshrl.u32 s15, $0x6  }
0x44: {  	s15 =	smul.u32 $0x5000, s15  }
.Ltmp5:
0x45: {  	_ = 	snop;
	(pc) =	sbr.rel .LBB1_7-.Ltmp5, $4  }
0x46: {  	s13 =	ssub.s32 s13, s15  }
0x47: {  	s13 =	sshll.u32 s13, $0x4  }
0x48: {  	s13 =	sadd.s32 s3, s13  }
0x49: {  	[hbm4b:s13+s8] =	stream.strided.scatter [tilespmem:s14], [sflag:$0x2], $0x4000, s9, s8, $0x38;
	[tilespmem:$0x10000] =	vst v63  }
.LBB1_8:
0x4a: {  	_ =	sfence.sel $0x180000  }
0x4b: {  	s2 =	simm.s32 $0x1;
	[bflag:$0x0] =	sbarrier.arrive $0xFFFF  }
0x4c: {  	s31 =	simm.s32 $0x2;
	[sflag:s2] =	ssyncpa.u1 $0x1  }
0x4d: {  	[sflag:s31] =	ssyncpa.u1 $0x1  }
0x4e: {  	p0 =	sne.s32 s0, $0x0;
	_ =	strace $0x90000047  }
0x4f: {  	s0 =	sadd.s32 @!p0 $0x100000, s1;
	[bflag:$0x2] =	sbarrier.arrive $0xFFFF  }
0x50: {  	[sflag:s0] =	ssyncadd.tile.s32 @!p0 $0x1;
	_ =	shalt  }
.Lfunc_end1:
_tile_overlayer_lowered:
.L_overlay_start_2:
0x51: {  	(tag) =	ssettag $0x2  }
0x52: {  	s0 =	rddreg [dreg:$0x0];
	s2 =	stileid.u32  }
0x53: {  	s1 =	rddreg [dreg:$0x1];
	p0 =	sne.s32 s2, $0x0  }
0x54: {  	s3 =	rddreg [dreg:$0x2];
	[bflag:$0x3] =	sbarrier.arrive $0xFFFF;
	s2 =	simm.s32 @!p0 $0x1C01  }
0x55: {  	[timem:s3], [sflag:s2] =	dma.local @!p0 [hbm:s0], s1  }
0x56: {  	s0 =	simm.s32 @!p0 $0x1  }
0x57: {  	_ =	swait.ge @!p0 [sflag:s0], s1  }
0x58: {  	s1 =	ssub.s32 @!p0 $0x0, s1;
	[sflag:s0] =	ssyncset.done @!p0 $0x0  }
0x59: {  	[sflag:s0] =	ssyncadd.s32 @!p0 s1  }
0x5a: {  	[bflag:$0x3] =	sbarrier.arrive $0xFFFF  }
0x5b: {  	_ =	shalt  }

</sc_bundles>
